<compile_context>
chip_gen: v7x
topology: tpu7x:2x2x1
jax: 0.10.2.dev20260603
libtpu: 0.0.44.dev20260713+nightly
codegen_flags: <defaults>
</compile_context>

<pallas_src>
import functools

import jax
import jax.numpy as jnp
from jax import lax
from jax.experimental import pallas as pl
from jax.experimental.pallas import tpu as pltpu
from jax.experimental.pallas import tpu_sc as plsc

_NC = 2
_NS = 16
_NW = _NC * _NS


def _topk_body(x_ref, nk_ref, idx_ref):
    x = x_ref[...]
    q = x / jnp.maximum(jnp.sqrt(jnp.sum(x * x, axis=1, keepdims=True)),
                        1e-12)
    scores = lax.dot_general(q, nk_ref[...], (((1,), (1,)), ((), ())),
                             preferred_element_type=jnp.float32)
    m = jnp.max(scores, axis=1, keepdims=True)
    col = lax.broadcasted_iota(jnp.int32, scores.shape, 1)
    idx_ref[...] = jnp.min(jnp.where(scores == m, col, jnp.int32(2**30)),
                           axis=1)


def _topk_indices(x, nk):
    b = x.shape[0]
    return pl.pallas_call(
        _topk_body,
        out_shape=jax.ShapeDtypeStruct((b,), jnp.int32),
    )(x, nk)


def _make_gather_spmem(b, half, emb, pool, plen):
    bpw = b // _NW
    mesh = plsc.VectorSubcoreMesh(core_axis_name="c", subcore_axis_name="s")

    @functools.partial(
        pl.kernel,
        mesh=mesh,
        out_type=jax.ShapeDtypeStruct((b, half, emb), jnp.float32),
        scratch_types=[
            pltpu.VMEM((bpw,), jnp.int32),
            pltpu.VMEM_SHARED((pool, plen, emb), jnp.float32),
            pltpu.SemaphoreType.DMA,
        ],
    )
    def gather_kernel(ep_hbm, idx_hbm, ek_out, idx_v, shared, sem):
        c = lax.axis_index("c")
        s = lax.axis_index("s")
        wid = s * _NC + c
        base = wid * bpw

        @pl.when(s == 0)
        def _():
            pltpu.sync_copy(ep_hbm, shared)

        pltpu.sync_copy(idx_hbm.at[pl.ds(base, bpw)], idx_v)
        plsc.subcore_barrier()

        def body(g, carry):
            off = pl.multiple_of(g * 16, 16)
            vec = idx_v[pl.ds(off, 16)]
            for j in range(16):
                pltpu.async_copy(
                    shared.at[pl.ds(vec[j], 1), pl.ds(0, half)],
                    ek_out.at[pl.ds(base + off + j, 1)], sem)
            return carry

        lax.fori_loop(0, bpw // 16, body, 0)
        pltpu.make_async_copy(ek_out.at[pl.ds(base, bpw)],
                              ek_out.at[pl.ds(base, bpw)], sem).wait()

    return gather_kernel


def _make_gather_tc(b, half, emb):
    blk = 512

    def body(idx_ref, ep_ref, out_ref):
        amax = idx_ref[...]
        pool = ep_ref.shape[0]
        col = lax.broadcasted_iota(jnp.int32, (blk, pool), 1)
        oh = (col == amax[:, None]).astype(jnp.float32)
        for h in range(half):
            out_ref[:, h, :] = lax.dot_general(
                oh, ep_ref[:, half + h, :], (((1,), (0,)), ((), ())),
                preferred_element_type=jnp.float32)

    def call(amax, e_p):
        pool, plen, _ = e_p.shape
        return pl.pallas_call(
            body,
            grid=(b // blk,),
            in_specs=[pl.BlockSpec((blk,), lambda g: (g,)),
                      pl.BlockSpec((pool, plen, emb), lambda g: (0, 0, 0))],
            out_specs=pl.BlockSpec((blk, half, emb), lambda g: (g, 0, 0)),
            out_shape=jax.ShapeDtypeStruct((b, half, emb), jnp.float32),
        )(amax, e_p)

    return call


def kernel(x_querry, l, x_block, e_k, e_p):
    b = x_querry.shape[0]
    pool, plen, emb = e_p.shape
    half = plen // 2

    nk = e_k / jnp.maximum(jnp.linalg.norm(e_k, axis=1, keepdims=True), 1e-12)
    amax = _topk_indices(x_querry, nk)
    ek_o = _make_gather_spmem(b, half, emb, pool, plen)(e_p, amax)
    ev_o = _make_gather_tc(b, half, emb)(amax, e_p)
    return (ek_o, ev_o, x_block)

# --- scband reference (transcript-rebuilt; emitter-appended) ---
"""Pipeline reference for scband-dual-prompt-18794776887630 (READ-ONLY COPY).

The authoritative reference and input builder live on the scoring server;
editing this copy changes nothing except your own understanding.
"""

import jax, jax.numpy as jnp
import numpy as np


def _normalize(x, axis):
    n = jnp.linalg.norm(x, axis=axis, keepdims=True)
    return x / jnp.maximum(n, 1e-12)


def setup_inputs(seed: int = 0) -> dict:
    key = jax.random.key(seed)
    k1, k2, k3, k4 = jax.random.split(key, 4)
    B = 4096
    emb_d = 768
    key_d = 768
    e_pool_size = 100
    e_p_length = 8
    x_querry = jax.random.normal(k1, (B, emb_d), dtype=jnp.float32)
    x_block = jax.random.normal(k2, (B, emb_d), dtype=jnp.float32)
    # learned params for layer l=2 (an e_layer): prompt pool and keys, uniform init like torch
    e_p = jax.random.uniform(k3, (e_pool_size, e_p_length, emb_d), dtype=jnp.float32)
    e_k = jax.random.uniform(k4, (e_pool_size, key_d), dtype=jnp.float32)
    return {"x_querry": x_querry, "l": 2, "x_block": x_block, "e_k": e_k, "e_p": e_p}


def reference(x_querry, l, x_block, e_k, e_p):
    # eval path (train=False), l=2 is in e_layers=[2,3,4], not in g_layers=[0,1]
    top_k = 1
    n_K = _normalize(e_k, axis=1)
    q = jax.lax.stop_gradient(_normalize(x_querry, axis=1))
    cos_sim = jnp.einsum('bj,kj->bk', q, n_K)
    _, k_idx = jax.lax.top_k(cos_sim, top_k)  # [B, 1]
    # P_ = p[k_idx][:, 0] -> gather prompts for top-1 match
    P_ = jnp.take(e_p, k_idx[:, 0], axis=0)  # [B, e_p_length, emb_d]
    i = e_p.shape[1] // 2
    Ek = P_[:, :i, :]
    Ev = P_[:, i:, :]
    # p_return = [Ek, Ev]; returns (p_return, 0, x_block)
    return (Ek, Ev, x_block)

if __name__ == "__main__":
    import jax
    _d = setup_inputs()
    print(jax.jit(kernel)(*tuple(_d.values())))

</pallas_src>

<mosaic_0001>
#map = affine_map<(d0, d1) -> (0, 0, 0)>
#map1 = affine_map<(d0, d1) -> (0)>
module attributes {stable_mosaic.version = 14 : i64} {
  func.func @gather_kernel(%arg0: i32, %arg1: i32, %arg2: memref<100x8x768xf32, #tpu.memory_space<hbm>>, %arg3: memref<4096xi32, #tpu.memory_space<hbm>>, %arg4: memref<4096x4x768xf32, #tpu.memory_space<hbm>>, %arg5: memref<128xi32, #tpu.memory_space<vmem>>, %arg6: memref<100x8x768xf32, #tpu.memory_space<vmem_shared>>, %arg7: memref<!tpu.dma_semaphore, #tpu.memory_space<semaphore_mem>>) attributes {dimension_semantics = [#tpu.dimension_semantics<core_parallel>, #tpu.dimension_semantics<subcore_parallel>], iteration_bounds = array<i64: 2, 16>, scalar_prefetch = 0 : i64, scratch_operands = 3 : i64, tpu.core_type = #tpu.core_type<sc_vector_subcore>, window_params = [{transform_indices = #map}, {transform_indices = #map1}, {transform_indices = #map}]} {
    %mul3A = arith.constant 2 : i32
    %mul3A_0 = arith.muli %arg1, %mul3A : i32
    %add3A = arith.addi %mul3A_0, %arg0 : i32
    %mul3A_1 = arith.constant 128 : i32
    %mul3A_2 = arith.muli %add3A, %mul3A_1 : i32
    %eq3A = arith.constant 0 : i32
    %eq3A_3 = arith.cmpi eq, %arg1, %eq3A : i32
    %convert_element_type3A = arith.extui %eq3A_3 : i1 to i32
    %cond3A = arith.constant 0 : i32
    %cond3A_4 = arith.cmpi ne, %convert_element_type3A, %cond3A : i32
    scf.if %cond3A_4 {
      "tpu.region"() ({
        %run_scoped3A = tpu.sem_alloc : memref<!tpu.dma_semaphore, #tpu.memory_space<semaphore_mem>>
        tpu.enqueue_dma source(%arg2 : memref<100x8x768xf32, #tpu.memory_space<hbm>>) target(%arg6 : memref<100x8x768xf32, #tpu.memory_space<vmem_shared>>) target_semaphore(%run_scoped3A : memref<!tpu.dma_semaphore, #tpu.memory_space<semaphore_mem>>)
        tpu.wait_dma2 semaphore(%run_scoped3A : memref<!tpu.dma_semaphore, #tpu.memory_space<semaphore_mem>>) src(%arg2 : memref<100x8x768xf32, #tpu.memory_space<hbm>>) dst(%arg6 : memref<100x8x768xf32, #tpu.memory_space<vmem_shared>>)
        tpu.yield
      }) : () -> ()
    } else {
    }
    "tpu.region"() ({
      %run_scoped3A = tpu.sem_alloc : memref<!tpu.dma_semaphore, #tpu.memory_space<semaphore_mem>>
      %dma_start3A = tpu.memref_slice %arg3[%mul3A_2] : memref<4096xi32, #tpu.memory_space<hbm>> -> memref<128xi32, #tpu.memory_space<hbm>>
      %dma_start3A_15 = tpu.memref_slice %arg3[%mul3A_2] : memref<4096xi32, #tpu.memory_space<hbm>> -> memref<128xi32, #tpu.memory_space<hbm>>
      tpu.enqueue_dma source(%dma_start3A_15 : memref<128xi32, #tpu.memory_space<hbm>>) target(%arg5 : memref<128xi32, #tpu.memory_space<vmem>>) target_semaphore(%run_scoped3A : memref<!tpu.dma_semaphore, #tpu.memory_space<semaphore_mem>>)
      %dma_wait3A_16 = tpu.memref_slice %arg3[%mul3A_2] : memref<4096xi32, #tpu.memory_space<hbm>> -> memref<128xi32, #tpu.memory_space<hbm>>
      %dma_wait3A_17 = tpu.memref_slice %arg3[%mul3A_2] : memref<4096xi32, #tpu.memory_space<hbm>> -> memref<128xi32, #tpu.memory_space<hbm>>
      tpu.wait_dma2 semaphore(%run_scoped3A : memref<!tpu.dma_semaphore, #tpu.memory_space<semaphore_mem>>) src(%dma_wait3A_17 : memref<128xi32, #tpu.memory_space<hbm>>) dst(%arg5 : memref<128xi32, #tpu.memory_space<vmem>>)
      tpu.yield
    }) : () -> ()
    %barrier3A = arith.constant 0 : index
    tpu.barrier barrier_id(%barrier3A)
    %scan3A = arith.constant 0 : i32
    %scan3A_5 = arith.constant 0 : i32
    %scan3A_6 = arith.constant 8 : i32
    %scan3A_7 = arith.addi %scan3A_5, %scan3A_6 : i32
    %scan3A_8 = arith.constant 1 : i32
    scf.for %scan3A_15 = %scan3A_5 to %scan3A_7 step %scan3A_8  : i32 {
      %mul3A_16 = arith.constant 16 : i32
      %mul3A_17 = arith.muli %scan3A_15, %mul3A_16 : i32
      %multiple_of3A = tpu.assume_multiple %mul3A_17, 16 : i32
      %get3A = arith.index_cast %multiple_of3A : i32 to index
      %get3A_18 = tpu.vector_load %arg5[%get3A] {strides = array<i32>} : memref<128xi32, #tpu.memory_space<vmem>>, vector<16xi32>,
      %get3A_19 = vector.shape_cast %get3A_18 : vector<16xi32> to vector<16xi32>
      %slice3A = vector.extract_strided_slice %get3A_19 {offsets = [0], sizes = [1], strides = [1]} : vector<16xi32> to vector<1xi32>
      %squeeze3A = vector.extract %slice3A[0] : i32 from vector<1xi32>
      %add3A_20 = arith.addi %mul3A_2, %multiple_of3A : i32
      %add3A_21 = arith.constant 0 : i32
      %add3A_22 = arith.addi %add3A_20, %add3A_21 : i32
      %dma_start3A = arith.constant 0 : i32
      %dma_start3A_23 = arith.constant 0 : i32
      %dma_start3A_24 = tpu.memref_slice %arg4[%add3A_22, %dma_start3A, %dma_start3A_23] : memref<4096x4x768xf32, #tpu.memory_space<hbm>> -> memref<1x4x768xf32, #tpu.memory_space<hbm>>
      %dma_start3A_25 = arith.constant 0 : i32
      %dma_start3A_26 = arith.constant 0 : i32
      %dma_start3A_27 = tpu.memref_slice %arg6[%squeeze3A, %dma_start3A_25, %dma_start3A_26] : memref<100x8x768xf32, #tpu.memory_space<vmem_shared>> -> memref<1x4x768xf32, #tpu.memory_space<vmem_shared>>
      tpu.enqueue_dma source(%dma_start3A_27 : memref<1x4x768xf32, #tpu.memory_space<vmem_shared>>) target(%dma_start3A_24 : memref<1x4x768xf32, #tpu.memory_space<hbm>>) target_semaphore(%arg7 : memref<!tpu.dma_semaphore, #tpu.memory_space<semaphore_mem>>)
      %slice3A_28 = vector.extract_strided_slice %get3A_19 {offsets = [1], sizes = [1], strides = [1]} : vector<16xi32> to vector<1xi32>
      %squeeze3A_29 = vector.extract %slice3A_28[0] : i32 from vector<1xi32>
      %add3A_30 = arith.addi %mul3A_2, %multiple_of3A : i32
      %add3A_31 = arith.constant 1 : i32
      %add3A_32 = arith.addi %add3A_30, %add3A_31 : i32
      %dma_start3A_33 = arith.constant 0 : i32
      %dma_start3A_34 = arith.constant 0 : i32
      %dma_start3A_35 = tpu.memref_slice %arg4[%add3A_32, %dma_start3A_33, %dma_start3A_34] : memref<4096x4x768xf32, #tpu.memory_space<hbm>> -> memref<1x4x768xf32, #tpu.memory_space<hbm>>
      %dma_start3A_36 = arith.constant 0 : i32
      %dma_start3A_37 = arith.constant 0 : i32
      %dma_start3A_38 = tpu.memref_slice %arg6[%squeeze3A_29, %dma_start3A_36, %dma_start3A_37] : memref<100x8x768xf32, #tpu.memory_space<vmem_shared>> -> memref<1x4x768xf32, #tpu.memory_space<vmem_shared>>
      tpu.enqueue_dma source(%dma_start3A_38 : memref<1x4x768xf32, #tpu.memory_space<vmem_shared>>) target(%dma_start3A_35 : memref<1x4x768xf32, #tpu.memory_space<hbm>>) target_semaphore(%arg7 : memref<!tpu.dma_semaphore, #tpu.memory_space<semaphore_mem>>)
      %slice3A_39 = vector.extract_strided_slice %get3A_19 {offsets = [2], sizes = [1], strides = [1]} : vector<16xi32> to vector<1xi32>
      %squeeze3A_40 = vector.extract %slice3A_39[0] : i32 from vector<1xi32>
      %add3A_41 = arith.addi %mul3A_2, %multiple_of3A : i32
      %add3A_42 = arith.constant 2 : i32
      %add3A_43 = arith.addi %add3A_41, %add3A_42 : i32
      %dma_start3A_44 = arith.constant 0 : i32
      %dma_start3A_45 = arith.constant 0 : i32
      %dma_start3A_46 = tpu.memref_slice %arg4[%add3A_43, %dma_start3A_44, %dma_start3A_45] : memref<4096x4x768xf32, #tpu.memory_space<hbm>> -> memref<1x4x768xf32, #tpu.memory_space<hbm>>
      %dma_start3A_47 = arith.constant 0 : i32
      %dma_start3A_48 = arith.constant 0 : i32
      %dma_start3A_49 = tpu.memref_slice %arg6[%squeeze3A_40, %dma_start3A_47, %dma_start3A_48] : memref<100x8x768xf32, #tpu.memory_space<vmem_shared>> -> memref<1x4x768xf32, #tpu.memory_space<vmem_shared>>
      tpu.enqueue_dma source(%dma_start3A_49 : memref<1x4x768xf32, #tpu.memory_space<vmem_shared>>) target(%dma_start3A_46 : memref<1x4x768xf32, #tpu.memory_space<hbm>>) target_semaphore(%arg7 : memref<!tpu.dma_semaphore, #tpu.memory_space<semaphore_mem>>)
      %slice3A_50 = vector.extract_strided_slice %get3A_19 {offsets = [3], sizes = [1], strides = [1]} : vector<16xi32> to vector<1xi32>
      %squeeze3A_51 = vector.extract %slice3A_50[0] : i32 from vector<1xi32>
      %add3A_52 = arith.addi %mul3A_2, %multiple_of3A : i32
      %add3A_53 = arith.constant 3 : i32
      %add3A_54 = arith.addi %add3A_52, %add3A_53 : i32
      %dma_start3A_55 = arith.constant 0 : i32
      %dma_start3A_56 = arith.constant 0 : i32
      %dma_start3A_57 = tpu.memref_slice %arg4[%add3A_54, %dma_start3A_55, %dma_start3A_56] : memref<4096x4x768xf32, #tpu.memory_space<hbm>> -> memref<1x4x768xf32, #tpu.memory_space<hbm>>
      %dma_start3A_58 = arith.constant 0 : i32
      %dma_start3A_59 = arith.constant 0 : i32
      %dma_start3A_60 = tpu.memref_slice %arg6[%squeeze3A_51, %dma_start3A_58, %dma_start3A_59] : memref<100x8x768xf32, #tpu.memory_space<vmem_shared>> -> memref<1x4x768xf32, #tpu.memory_space<vmem_shared>>
      tpu.enqueue_dma source(%dma_start3A_60 : memref<1x4x768xf32, #tpu.memory_space<vmem_shared>>) target(%dma_start3A_57 : memref<1x4x768xf32, #tpu.memory_space<hbm>>) target_semaphore(%arg7 : memref<!tpu.dma_semaphore, #tpu.memory_space<semaphore_mem>>)
      %slice3A_61 = vector.extract_strided_slice %get3A_19 {offsets = [4], sizes = [1], strides = [1]} : vector<16xi32> to vector<1xi32>
      %squeeze3A_62 = vector.extract %slice3A_61[0] : i32 from vector<1xi32>
      %add3A_63 = arith.addi %mul3A_2, %multiple_of3A : i32
      %add3A_64 = arith.constant 4 : i32
      %add3A_65 = arith.addi %add3A_63, %add3A_64 : i32
      %dma_start3A_66 = arith.constant 0 : i32
      %dma_start3A_67 = arith.constant 0 : i32
      %dma_start3A_68 = tpu.memref_slice %arg4[%add3A_65, %dma_start3A_66, %dma_start3A_67] : memref<4096x4x768xf32, #tpu.memory_space<hbm>> -> memref<1x4x768xf32, #tpu.memory_space<hbm>>
      %dma_start3A_69 = arith.constant 0 : i32
      %dma_start3A_70 = arith.constant 0 : i32
      %dma_start3A_71 = tpu.memref_slice %arg6[%squeeze3A_62, %dma_start3A_69, %dma_start3A_70] : memref<100x8x768xf32, #tpu.memory_space<vmem_shared>> -> memref<1x4x768xf32, #tpu.memory_space<vmem_shared>>
      tpu.enqueue_dma source(%dma_start3A_71 : memref<1x4x768xf32, #tpu.memory_space<vmem_shared>>) target(%dma_start3A_68 : memref<1x4x768xf32, #tpu.memory_space<hbm>>) target_semaphore(%arg7 : memref<!tpu.dma_semaphore, #tpu.memory_space<semaphore_mem>>)
      %slice3A_72 = vector.extract_strided_slice %get3A_19 {offsets = [5], sizes = [1], strides = [1]} : vector<16xi32> to vector<1xi32>
      %squeeze3A_73 = vector.extract %slice3A_72[0] : i32 from vector<1xi32>
      %add3A_74 = arith.addi %mul3A_2, %multiple_of3A : i32
      %add3A_75 = arith.constant 5 : i32
      %add3A_76 = arith.addi %add3A_74, %add3A_75 : i32
      %dma_start3A_77 = arith.constant 0 : i32
      %dma_start3A_78 = arith.constant 0 : i32
      %dma_start3A_79 = tpu.memref_slice %arg4[%add3A_76, %dma_start3A_77, %dma_start3A_78] : memref<4096x4x768xf32, #tpu.memory_space<hbm>> -> memref<1x4x768xf32, #tpu.memory_space<hbm>>
      %dma_start3A_80 = arith.constant 0 : i32
      %dma_start3A_81 = arith.constant 0 : i32
      %dma_start3A_82 = tpu.memref_slice %arg6[%squeeze3A_73, %dma_start3A_80, %dma_start3A_81] : memref<100x8x768xf32, #tpu.memory_space<vmem_shared>> -> memref<1x4x768xf32, #tpu.memory_space<vmem_shared>>
      tpu.enqueue_dma source(%dma_start3A_82 : memref<1x4x768xf32, #tpu.memory_space<vmem_shared>>) target(%dma_start3A_79 : memref<1x4x768xf32, #tpu.memory_space<hbm>>) target_semaphore(%arg7 : memref<!tpu.dma_semaphore, #tpu.memory_space<semaphore_mem>>)
      %slice3A_83 = vector.extract_strided_slice %get3A_19 {offsets = [6], sizes = [1], strides = [1]} : vector<16xi32> to vector<1xi32>
      %squeeze3A_84 = vector.extract %slice3A_83[0] : i32 from vector<1xi32>
      %add3A_85 = arith.addi %mul3A_2, %multiple_of3A : i32
      %add3A_86 = arith.constant 6 : i32
      %add3A_87 = arith.addi %add3A_85, %add3A_86 : i32
      %dma_start3A_88 = arith.constant 0 : i32
      %dma_start3A_89 = arith.constant 0 : i32
      %dma_start3A_90 = tpu.memref_slice %arg4[%add3A_87, %dma_start3A_88, %dma_start3A_89] : memref<4096x4x768xf32, #tpu.memory_space<hbm>> -> memref<1x4x768xf32, #tpu.memory_space<hbm>>
      %dma_start3A_91 = arith.constant 0 : i32
      %dma_start3A_92 = arith.constant 0 : i32
      %dma_start3A_93 = tpu.memref_slice %arg6[%squeeze3A_84, %dma_start3A_91, %dma_start3A_92] : memref<100x8x768xf32, #tpu.memory_space<vmem_shared>> -> memref<1x4x768xf32, #tpu.memory_space<vmem_shared>>
      tpu.enqueue_dma source(%dma_start3A_93 : memref<1x4x768xf32, #tpu.memory_space<vmem_shared>>) target(%dma_start3A_90 : memref<1x4x768xf32, #tpu.memory_space<hbm>>) target_semaphore(%arg7 : memref<!tpu.dma_semaphore, #tpu.memory_space<semaphore_mem>>)
      %slice3A_94 = vector.extract_strided_slice %get3A_19 {offsets = [7], sizes = [1], strides = [1]} : vector<16xi32> to vector<1xi32>
      %squeeze3A_95 = vector.extract %slice3A_94[0] : i32 from vector<1xi32>
      %add3A_96 = arith.addi %mul3A_2, %multiple_of3A : i32
      %add3A_97 = arith.constant 7 : i32
      %add3A_98 = arith.addi %add3A_96, %add3A_97 : i32
      %dma_start3A_99 = arith.constant 0 : i32
      %dma_start3A_100 = arith.constant 0 : i32
      %dma_start3A_101 = tpu.memref_slice %arg4[%add3A_98, %dma_start3A_99, %dma_start3A_100] : memref<4096x4x768xf32, #tpu.memory_space<hbm>> -> memref<1x4x768xf32, #tpu.memory_space<hbm>>
      %dma_start3A_102 = arith.constant 0 : i32
      %dma_start3A_103 = arith.constant 0 : i32
      %dma_start3A_104 = tpu.memref_slice %arg6[%squeeze3A_95, %dma_start3A_102, %dma_start3A_103] : memref<100x8x768xf32, #tpu.memory_space<vmem_shared>> -> memref<1x4x768xf32, #tpu.memory_space<vmem_shared>>
      tpu.enqueue_dma source(%dma_start3A_104 : memref<1x4x768xf32, #tpu.memory_space<vmem_shared>>) target(%dma_start3A_101 : memref<1x4x768xf32, #tpu.memory_space<hbm>>) target_semaphore(%arg7 : memref<!tpu.dma_semaphore, #tpu.memory_space<semaphore_mem>>)
      %slice3A_105 = vector.extract_strided_slice %get3A_19 {offsets = [8], sizes = [1], strides = [1]} : vector<16xi32> to vector<1xi32>
      %squeeze3A_106 = vector.extract %slice3A_105[0] : i32 from vector<1xi32>
      %add3A_107 = arith.addi %mul3A_2, %multiple_of3A : i32
      %add3A_108 = arith.constant 8 : i32
      %add3A_109 = arith.addi %add3A_107, %add3A_108 : i32
      %dma_start3A_110 = arith.constant 0 : i32
      %dma_start3A_111 = arith.constant 0 : i32
      %dma_start3A_112 = tpu.memref_slice %arg4[%add3A_109, %dma_start3A_110, %dma_start3A_111] : memref<4096x4x768xf32, #tpu.memory_space<hbm>> -> memref<1x4x768xf32, #tpu.memory_space<hbm>>
      %dma_start3A_113 = arith.constant 0 : i32
      %dma_start3A_114 = arith.constant 0 : i32
      %dma_start3A_115 = tpu.memref_slice %arg6[%squeeze3A_106, %dma_start3A_113, %dma_start3A_114] : memref<100x8x768xf32, #tpu.memory_space<vmem_shared>> -> memref<1x4x768xf32, #tpu.memory_space<vmem_shared>>
      tpu.enqueue_dma source(%dma_start3A_115 : memref<1x4x768xf32, #tpu.memory_space<vmem_shared>>) target(%dma_start3A_112 : memref<1x4x768xf32, #tpu.memory_space<hbm>>) target_semaphore(%arg7 : memref<!tpu.dma_semaphore, #tpu.memory_space<semaphore_mem>>)
      %slice3A_116 = vector.extract_strided_slice %get3A_19 {offsets = [9], sizes = [1], strides = [1]} : vector<16xi32> to vector<1xi32>
      %squeeze3A_117 = vector.extract %slice3A_116[0] : i32 from vector<1xi32>
      %add3A_118 = arith.addi %mul3A_2, %multiple_of3A : i32
      %add3A_119 = arith.constant 9 : i32
      %add3A_120 = arith.addi %add3A_118, %add3A_119 : i32
      %dma_start3A_121 = arith.constant 0 : i32
      %dma_start3A_122 = arith.constant 0 : i32
      %dma_start3A_123 = tpu.memref_slice %arg4[%add3A_120, %dma_start3A_121, %dma_start3A_122] : memref<4096x4x768xf32, #tpu.memory_space<hbm>> -> memref<1x4x768xf32, #tpu.memory_space<hbm>>
      %dma_start3A_124 = arith.constant 0 : i32
      %dma_start3A_125 = arith.constant 0 : i32
      %dma_start3A_126 = tpu.memref_slice %arg6[%squeeze3A_117, %dma_start3A_124, %dma_start3A_125] : memref<100x8x768xf32, #tpu.memory_space<vmem_shared>> -> memref<1x4x768xf32, #tpu.memory_space<vmem_shared>>
      tpu.enqueue_dma source(%dma_start3A_126 : memref<1x4x768xf32, #tpu.memory_space<vmem_shared>>) target(%dma_start3A_123 : memref<1x4x768xf32, #tpu.memory_space<hbm>>) target_semaphore(%arg7 : memref<!tpu.dma_semaphore, #tpu.memory_space<semaphore_mem>>)
      %slice3A_127 = vector.extract_strided_slice %get3A_19 {offsets = [10], sizes = [1], strides = [1]} : vector<16xi32> to vector<1xi32>
      %squeeze3A_128 = vector.extract %slice3A_127[0] : i32 from vector<1xi32>
      %add3A_129 = arith.addi %mul3A_2, %multiple_of3A : i32
      %add3A_130 = arith.constant 10 : i32
      %add3A_131 = arith.addi %add3A_129, %add3A_130 : i32
      %dma_start3A_132 = arith.constant 0 : i32
      %dma_start3A_133 = arith.constant 0 : i32
      %dma_start3A_134 = tpu.memref_slice %arg4[%add3A_131, %dma_start3A_132, %dma_start3A_133] : memref<4096x4x768xf32, #tpu.memory_space<hbm>> -> memref<1x4x768xf32, #tpu.memory_space<hbm>>
      %dma_start3A_135 = arith.constant 0 : i32
      %dma_start3A_136 = arith.constant 0 : i32
      %dma_start3A_137 = tpu.memref_slice %arg6[%squeeze3A_128, %dma_start3A_135, %dma_start3A_136] : memref<100x8x768xf32, #tpu.memory_space<vmem_shared>> -> memref<1x4x768xf32, #tpu.memory_space<vmem_shared>>
      tpu.enqueue_dma source(%dma_start3A_137 : memref<1x4x768xf32, #tpu.memory_space<vmem_shared>>) target(%dma_start3A_134 : memref<1x4x768xf32, #tpu.memory_space<hbm>>) target_semaphore(%arg7 : memref<!tpu.dma_semaphore, #tpu.memory_space<semaphore_mem>>)
      %slice3A_138 = vector.extract_strided_slice %get3A_19 {offsets = [11], sizes = [1], strides = [1]} : vector<16xi32> to vector<1xi32>
      %squeeze3A_139 = vector.extract %slice3A_138[0] : i32 from vector<1xi32>
      %add3A_140 = arith.addi %mul3A_2, %multiple_of3A : i32
      %add3A_141 = arith.constant 11 : i32
      %add3A_142 = arith.addi %add3A_140, %add3A_141 : i32
      %dma_start3A_143 = arith.constant 0 : i32
      %dma_start3A_144 = arith.constant 0 : i32
      %dma_start3A_145 = tpu.memref_slice %arg4[%add3A_142, %dma_start3A_143, %dma_start3A_144] : memref<4096x4x768xf32, #tpu.memory_space<hbm>> -> memref<1x4x768xf32, #tpu.memory_space<hbm>>
      %dma_start3A_146 = arith.constant 0 : i32
      %dma_start3A_147 = arith.constant 0 : i32
      %dma_start3A_148 = tpu.memref_slice %arg6[%squeeze3A_139, %dma_start3A_146, %dma_start3A_147] : memref<100x8x768xf32, #tpu.memory_space<vmem_shared>> -> memref<1x4x768xf32, #tpu.memory_space<vmem_shared>>
      tpu.enqueue_dma source(%dma_start3A_148 : memref<1x4x768xf32, #tpu.memory_space<vmem_shared>>) target(%dma_start3A_145 : memref<1x4x768xf32, #tpu.memory_space<hbm>>) target_semaphore(%arg7 : memref<!tpu.dma_semaphore, #tpu.memory_space<semaphore_mem>>)
      %slice3A_149 = vector.extract_strided_slice %get3A_19 {offsets = [12], sizes = [1], strides = [1]} : vector<16xi32> to vector<1xi32>
      %squeeze3A_150 = vector.extract %slice3A_149[0] : i32 from vector<1xi32>
      %add3A_151 = arith.addi %mul3A_2, %multiple_of3A : i32
      %add3A_152 = arith.constant 12 : i32
      %add3A_153 = arith.addi %add3A_151, %add3A_152 : i32
      %dma_start3A_154 = arith.constant 0 : i32
      %dma_start3A_155 = arith.constant 0 : i32
      %dma_start3A_156 = tpu.memref_slice %arg4[%add3A_153, %dma_start3A_154, %dma_start3A_155] : memref<4096x4x768xf32, #tpu.memory_space<hbm>> -> memref<1x4x768xf32, #tpu.memory_space<hbm>>
      %dma_start3A_157 = arith.constant 0 : i32
      %dma_start3A_158 = arith.constant 0 : i32
      %dma_start3A_159 = tpu.memref_slice %arg6[%squeeze3A_150, %dma_start3A_157, %dma_start3A_158] : memref<100x8x768xf32, #tpu.memory_space<vmem_shared>> -> memref<1x4x768xf32, #tpu.memory_space<vmem_shared>>
      tpu.enqueue_dma source(%dma_start3A_159 : memref<1x4x768xf32, #tpu.memory_space<vmem_shared>>) target(%dma_start3A_156 : memref<1x4x768xf32, #tpu.memory_space<hbm>>) target_semaphore(%arg7 : memref<!tpu.dma_semaphore, #tpu.memory_space<semaphore_mem>>)
      %slice3A_160 = vector.extract_strided_slice %get3A_19 {offsets = [13], sizes = [1], strides = [1]} : vector<16xi32> to vector<1xi32>
      %squeeze3A_161 = vector.extract %slice3A_160[0] : i32 from vector<1xi32>
      %add3A_162 = arith.addi %mul3A_2, %multiple_of3A : i32
      %add3A_163 = arith.constant 13 : i32
      %add3A_164 = arith.addi %add3A_162, %add3A_163 : i32
      %dma_start3A_165 = arith.constant 0 : i32
      %dma_start3A_166 = arith.constant 0 : i32
      %dma_start3A_167 = tpu.memref_slice %arg4[%add3A_164, %dma_start3A_165, %dma_start3A_166] : memref<4096x4x768xf32, #tpu.memory_space<hbm>> -> memref<1x4x768xf32, #tpu.memory_space<hbm>>
      %dma_start3A_168 = arith.constant 0 : i32
      %dma_start3A_169 = arith.constant 0 : i32
      %dma_start3A_170 = tpu.memref_slice %arg6[%squeeze3A_161, %dma_start3A_168, %dma_start3A_169] : memref<100x8x768xf32, #tpu.memory_space<vmem_shared>> -> memref<1x4x768xf32, #tpu.memory_space<vmem_shared>>
      tpu.enqueue_dma source(%dma_start3A_170 : memref<1x4x768xf32, #tpu.memory_space<vmem_shared>>) target(%dma_start3A_167 : memref<1x4x768xf32, #tpu.memory_space<hbm>>) target_semaphore(%arg7 : memref<!tpu.dma_semaphore, #tpu.memory_space<semaphore_mem>>)
      %slice3A_171 = vector.extract_strided_slice %get3A_19 {offsets = [14], sizes = [1], strides = [1]} : vector<16xi32> to vector<1xi32>
      %squeeze3A_172 = vector.extract %slice3A_171[0] : i32 from vector<1xi32>
      %add3A_173 = arith.addi %mul3A_2, %multiple_of3A : i32
      %add3A_174 = arith.constant 14 : i32
      %add3A_175 = arith.addi %add3A_173, %add3A_174 : i32
      %dma_start3A_176 = arith.constant 0 : i32
      %dma_start3A_177 = arith.constant 0 : i32
      %dma_start3A_178 = tpu.memref_slice %arg4[%add3A_175, %dma_start3A_176, %dma_start3A_177] : memref<4096x4x768xf32, #tpu.memory_space<hbm>> -> memref<1x4x768xf32, #tpu.memory_space<hbm>>
      %dma_start3A_179 = arith.constant 0 : i32
      %dma_start3A_180 = arith.constant 0 : i32
      %dma_start3A_181 = tpu.memref_slice %arg6[%squeeze3A_172, %dma_start3A_179, %dma_start3A_180] : memref<100x8x768xf32, #tpu.memory_space<vmem_shared>> -> memref<1x4x768xf32, #tpu.memory_space<vmem_shared>>
      tpu.enqueue_dma source(%dma_start3A_181 : memref<1x4x768xf32, #tpu.memory_space<vmem_shared>>) target(%dma_start3A_178 : memref<1x4x768xf32, #tpu.memory_space<hbm>>) target_semaphore(%arg7 : memref<!tpu.dma_semaphore, #tpu.memory_space<semaphore_mem>>)
      %slice3A_182 = vector.extract_strided_slice %get3A_19 {offsets = [15], sizes = [1], strides = [1]} : vector<16xi32> to vector<1xi32>
      %squeeze3A_183 = vector.extract %slice3A_182[0] : i32 from vector<1xi32>
      %add3A_184 = arith.addi %mul3A_2, %multiple_of3A : i32
      %add3A_185 = arith.constant 15 : i32
      %add3A_186 = arith.addi %add3A_184, %add3A_185 : i32
      %dma_start3A_187 = arith.constant 0 : i32
      %dma_start3A_188 = arith.constant 0 : i32
      %dma_start3A_189 = tpu.memref_slice %arg4[%add3A_186, %dma_start3A_187, %dma_start3A_188] : memref<4096x4x768xf32, #tpu.memory_space<hbm>> -> memref<1x4x768xf32, #tpu.memory_space<hbm>>
      %dma_start3A_190 = arith.constant 0 : i32
      %dma_start3A_191 = arith.constant 0 : i32
      %dma_start3A_192 = tpu.memref_slice %arg6[%squeeze3A_183, %dma_start3A_190, %dma_start3A_191] : memref<100x8x768xf32, #tpu.memory_space<vmem_shared>> -> memref<1x4x768xf32, #tpu.memory_space<vmem_shared>>
      tpu.enqueue_dma source(%dma_start3A_192 : memref<1x4x768xf32, #tpu.memory_space<vmem_shared>>) target(%dma_start3A_189 : memref<1x4x768xf32, #tpu.memory_space<hbm>>) target_semaphore(%arg7 : memref<!tpu.dma_semaphore, #tpu.memory_space<semaphore_mem>>)
    }
    %scan3A_9 = arith.constant 8 : i32
    %dma_wait3A = arith.constant 0 : i32
    %dma_wait3A_10 = arith.constant 0 : i32
    %dma_wait3A_11 = tpu.memref_slice %arg4[%mul3A_2, %dma_wait3A, %dma_wait3A_10] : memref<4096x4x768xf32, #tpu.memory_space<hbm>> -> memref<128x4x768xf32, #tpu.memory_space<hbm>>
    %dma_wait3A_12 = arith.constant 0 : i32
    %dma_wait3A_13 = arith.constant 0 : i32
    %dma_wait3A_14 = tpu.memref_slice %arg4[%mul3A_2, %dma_wait3A_12, %dma_wait3A_13] : memref<4096x4x768xf32, #tpu.memory_space<hbm>> -> memref<128x4x768xf32, #tpu.memory_space<hbm>>
    tpu.wait_dma2 semaphore(%arg7 : memref<!tpu.dma_semaphore, #tpu.memory_space<semaphore_mem>>) src(%dma_wait3A_14 : memref<128x4x768xf32, #tpu.memory_space<hbm>>) dst(%dma_wait3A_11 : memref<128x4x768xf32, #tpu.memory_space<hbm>>)
    return
  }
}

module attributes {stable_mosaic.version = 14 : i64} {
  func.func @_topk_body(%arg0: memref<4096x768xf32, #tpu.memory_space<vmem>>, %arg1: memref<100x768xf32, #tpu.memory_space<vmem>>, %arg2: memref<4096xi32, #tpu.memory_space<vmem>>) attributes {dimension_semantics = [], scalar_prefetch = 0 : i64, scratch_operands = 0 : i64, tpu.core_type = #tpu.core_type<tc>} {
    %get3A = arith.constant 0 : index
    %get3A_0 = arith.constant 0 : index
    %get3A_1 = vector.load %arg0[%get3A, %get3A_0] : memref<4096x768xf32, #tpu.memory_space<vmem>>, vector<4096x768xf32>
    %mul3A = arith.mulf %get3A_1, %get3A_1 : vector<4096x768xf32>
    %reduce_sum3A = arith.constant dense<0.000000e+00> : vector<4096xf32>
    %reduce_sum3A_2 = vector.multi_reduction <add>, %mul3A, %reduce_sum3A [1] : vector<4096x768xf32> to vector<4096xf32>
    %broadcast_in_dim3A = vector.shape_cast %reduce_sum3A_2 : vector<4096xf32> to vector<4096x1xf32>
    %sqrt3A = math.sqrt %broadcast_in_dim3A : vector<4096x1xf32>
    %max3A = arith.constant 9.99999996E-13 : f32
    %max3A_3 = vector.broadcast %max3A : f32 to vector<4096x1xf32>
    %max3A_4 = arith.maximumf %sqrt3A, %max3A_3 : vector<4096x1xf32>
    %div3A = vector.broadcast %max3A_4 : vector<4096x1xf32> to vector<4096x768xf32>
    %div3A_5 = arith.divf %get3A_1, %div3A : vector<4096x768xf32>
    %get3A_6 = arith.constant 0 : index
    %get3A_7 = arith.constant 0 : index
    %get3A_8 = vector.load %arg1[%get3A_6, %get3A_7] : memref<100x768xf32, #tpu.memory_space<vmem>>, vector<100x768xf32>
    %dot_general3A = arith.constant dense<0.000000e+00> : vector<4096x100xf32>
    %dot_general3A_9 = tpu.matmul %div3A_5, %get3A_8, %dot_general3A {dimension_numbers = #tpu.dot_dimension_numbers<[1], [1], [0], [0], [0, 0, 1, 0], [], []>, transpose_lhs_hint = false} : vector<4096x768xf32>, vector<100x768xf32>, vector<4096x100xf32> -> vector<4096x100xf32>
    %reduce_max3A = arith.constant dense<0xFF800000> : vector<4096xf32>
    %reduce_max3A_10 = vector.multi_reduction <maximumf>, %dot_general3A_9, %reduce_max3A [1] : vector<4096x100xf32> to vector<4096xf32>
    %broadcast_in_dim3A_11 = vector.shape_cast %reduce_max3A_10 : vector<4096xf32> to vector<4096x1xf32>
    %iota3A = tpu.iota {dimensions = array<i32: 1>} : vector<4096x100xi32>
    %eq3A = vector.broadcast %broadcast_in_dim3A_11 : vector<4096x1xf32> to vector<4096x100xf32>
    %eq3A_12 = arith.cmpf oeq, %dot_general3A_9, %eq3A : vector<4096x100xf32>
    %jit3A = arith.constant 1073741824 : i32
    %broadcast_in_dim3A_13 = vector.broadcast %jit3A : i32 to vector<4096x100xi32>
    %select_n3A = arith.select %eq3A_12, %iota3A, %broadcast_in_dim3A_13 : vector<4096x100xi1>, vector<4096x100xi32>
    %reduce_min3A = arith.constant dense<2147483647> : vector<4096xi32>
    %reduce_min3A_14 = vector.multi_reduction <minsi>, %select_n3A, %reduce_min3A [1] : vector<4096x100xi32> to vector<4096xi32>
    %swap3A = arith.constant 0 : index
    %swap3A_15 = vector.load %arg2[%swap3A] : memref<4096xi32, #tpu.memory_space<vmem>>, vector<4096xi32>
    tpu.vector_store %arg2[%swap3A], %reduce_min3A_14 {strides = array<i32>} : memref<4096xi32, #tpu.memory_space<vmem>>, vector<4096xi32>,
    return
  }
}

module attributes {stable_mosaic.version = 14 : i64} {
  func.func @body(%arg0: i32, %arg1: memref<512xi32, #tpu.memory_space<vmem>>, %arg2: memref<100x8x768xf32, #tpu.memory_space<vmem>>, %arg3: memref<512x4x768xf32, #tpu.memory_space<vmem>>) attributes {dimension_semantics = [#tpu.dimension_semantics<arbitrary>], iteration_bounds = array<i64: 8>, scalar_prefetch = 0 : i64, scratch_operands = 0 : i64, tpu.core_type = #tpu.core_type<tc>, window_params = [{transform_indices = @transform_0, window_bounds = array<i64: 512>}, {pipeline_mode = #tpu.pipeline_mode<synchronous>, transform_indices = @transform_1, window_bounds = array<i64: 100, 8, 768>}, {transform_indices = @transform_2, window_bounds = array<i64: 512, 4, 768>}]} {
    %get3A = arith.constant 0 : index
    %get3A_0 = vector.load %arg1[%get3A] : memref<512xi32, #tpu.memory_space<vmem>>, vector<512xi32>
    %iota3A = tpu.iota {dimensions = array<i32: 1>} : vector<512x100xi32>
    %broadcast_in_dim3A = vector.shape_cast %get3A_0 : vector<512xi32> to vector<512x1xi32>
    %eq3A = vector.broadcast %broadcast_in_dim3A : vector<512x1xi32> to vector<512x100xi32>
    %eq3A_1 = arith.cmpi eq, %iota3A, %eq3A : vector<512x100xi32>
    %convert_element_type3A = arith.extui %eq3A_1 : vector<512x100xi1> to vector<512x100xi32>
    %convert_element_type3A_2 = arith.sitofp %convert_element_type3A : vector<512x100xi32> to vector<512x100xf32>
    %get3A_3 = arith.constant 0 : index
    %get3A_4 = arith.constant 4 : index
    %get3A_5 = arith.constant 0 : index
    %get3A_6 = vector.load %arg2[%get3A_3, %get3A_4, %get3A_5] : memref<100x8x768xf32, #tpu.memory_space<vmem>>, vector<100x1x768xf32>
    %get3A_7 = vector.shape_cast %get3A_6 : vector<100x1x768xf32> to vector<100x768xf32>
    %dot_general3A = arith.constant dense<0.000000e+00> : vector<512x768xf32>
    %dot_general3A_8 = tpu.matmul %convert_element_type3A_2, %get3A_7, %dot_general3A {dimension_numbers = #tpu.dot_dimension_numbers<[1], [0], [0], [1], [0, 0, 1, 1], [], []>, transpose_lhs_hint = false} : vector<512x100xf32>, vector<100x768xf32>, vector<512x768xf32> -> vector<512x768xf32>
    %swap3A = arith.constant 0 : index
    %swap3A_9 = arith.constant 0 : index
    %swap3A_10 = arith.constant 0 : index
    %swap3A_11 = vector.load %arg3[%swap3A, %swap3A_9, %swap3A_10] : memref<512x4x768xf32, #tpu.memory_space<vmem>>, vector<512x1x768xf32>
    %swap3A_12 = vector.shape_cast %swap3A_11 : vector<512x1x768xf32> to vector<512x768xf32>
    %swap3A_13 = vector.shape_cast %dot_general3A_8 : vector<512x768xf32> to vector<512x1x768xf32>
    tpu.vector_store %arg3[%swap3A, %swap3A_9, %swap3A_10], %swap3A_13 {strides = array<i32>} : memref<512x4x768xf32, #tpu.memory_space<vmem>>, vector<512x1x768xf32>,
    %get3A_14 = arith.constant 0 : index
    %get3A_15 = arith.constant 5 : index
    %get3A_16 = arith.constant 0 : index
    %get3A_17 = vector.load %arg2[%get3A_14, %get3A_15, %get3A_16] : memref<100x8x768xf32, #tpu.memory_space<vmem>>, vector<100x1x768xf32>
    %get3A_18 = vector.shape_cast %get3A_17 : vector<100x1x768xf32> to vector<100x768xf32>
    %dot_general3A_19 = arith.constant dense<0.000000e+00> : vector<512x768xf32>
    %dot_general3A_20 = tpu.matmul %convert_element_type3A_2, %get3A_18, %dot_general3A_19 {dimension_numbers = #tpu.dot_dimension_numbers<[1], [0], [0], [1], [0, 0, 1, 1], [], []>, transpose_lhs_hint = false} : vector<512x100xf32>, vector<100x768xf32>, vector<512x768xf32> -> vector<512x768xf32>
    %swap3A_21 = arith.constant 0 : index
    %swap3A_22 = arith.constant 1 : index
    %swap3A_23 = arith.constant 0 : index
    %swap3A_24 = vector.load %arg3[%swap3A_21, %swap3A_22, %swap3A_23] : memref<512x4x768xf32, #tpu.memory_space<vmem>>, vector<512x1x768xf32>
    %swap3A_25 = vector.shape_cast %swap3A_24 : vector<512x1x768xf32> to vector<512x768xf32>
    %swap3A_26 = vector.shape_cast %dot_general3A_20 : vector<512x768xf32> to vector<512x1x768xf32>
    tpu.vector_store %arg3[%swap3A_21, %swap3A_22, %swap3A_23], %swap3A_26 {strides = array<i32>} : memref<512x4x768xf32, #tpu.memory_space<vmem>>, vector<512x1x768xf32>,
    %get3A_27 = arith.constant 0 : index
    %get3A_28 = arith.constant 6 : index
    %get3A_29 = arith.constant 0 : index
    %get3A_30 = vector.load %arg2[%get3A_27, %get3A_28, %get3A_29] : memref<100x8x768xf32, #tpu.memory_space<vmem>>, vector<100x1x768xf32>
    %get3A_31 = vector.shape_cast %get3A_30 : vector<100x1x768xf32> to vector<100x768xf32>
    %dot_general3A_32 = arith.constant dense<0.000000e+00> : vector<512x768xf32>
    %dot_general3A_33 = tpu.matmul %convert_element_type3A_2, %get3A_31, %dot_general3A_32 {dimension_numbers = #tpu.dot_dimension_numbers<[1], [0], [0], [1], [0, 0, 1, 1], [], []>, transpose_lhs_hint = false} : vector<512x100xf32>, vector<100x768xf32>, vector<512x768xf32> -> vector<512x768xf32>
    %swap3A_34 = arith.constant 0 : index
    %swap3A_35 = arith.constant 2 : index
    %swap3A_36 = arith.constant 0 : index
    %swap3A_37 = vector.load %arg3[%swap3A_34, %swap3A_35, %swap3A_36] : memref<512x4x768xf32, #tpu.memory_space<vmem>>, vector<512x1x768xf32>
    %swap3A_38 = vector.shape_cast %swap3A_37 : vector<512x1x768xf32> to vector<512x768xf32>
    %swap3A_39 = vector.shape_cast %dot_general3A_33 : vector<512x768xf32> to vector<512x1x768xf32>
    tpu.vector_store %arg3[%swap3A_34, %swap3A_35, %swap3A_36], %swap3A_39 {strides = array<i32>} : memref<512x4x768xf32, #tpu.memory_space<vmem>>, vector<512x1x768xf32>,
    %get3A_40 = arith.constant 0 : index
    %get3A_41 = arith.constant 7 : index
    %get3A_42 = arith.constant 0 : index
    %get3A_43 = vector.load %arg2[%get3A_40, %get3A_41, %get3A_42] : memref<100x8x768xf32, #tpu.memory_space<vmem>>, vector<100x1x768xf32>
    %get3A_44 = vector.shape_cast %get3A_43 : vector<100x1x768xf32> to vector<100x768xf32>
    %dot_general3A_45 = arith.constant dense<0.000000e+00> : vector<512x768xf32>
    %dot_general3A_46 = tpu.matmul %convert_element_type3A_2, %get3A_44, %dot_general3A_45 {dimension_numbers = #tpu.dot_dimension_numbers<[1], [0], [0], [1], [0, 0, 1, 1], [], []>, transpose_lhs_hint = false} : vector<512x100xf32>, vector<100x768xf32>, vector<512x768xf32> -> vector<512x768xf32>
    %swap3A_47 = arith.constant 0 : index
    %swap3A_48 = arith.constant 3 : index
    %swap3A_49 = arith.constant 0 : index
    %swap3A_50 = vector.load %arg3[%swap3A_47, %swap3A_48, %swap3A_49] : memref<512x4x768xf32, #tpu.memory_space<vmem>>, vector<512x1x768xf32>
    %swap3A_51 = vector.shape_cast %swap3A_50 : vector<512x1x768xf32> to vector<512x768xf32>
    %swap3A_52 = vector.shape_cast %dot_general3A_46 : vector<512x768xf32> to vector<512x1x768xf32>
    tpu.vector_store %arg3[%swap3A_47, %swap3A_48, %swap3A_49], %swap3A_52 {strides = array<i32>} : memref<512x4x768xf32, #tpu.memory_space<vmem>>, vector<512x1x768xf32>,
    return
  }
  func.func @transform_0(%arg0: i32) -> i32 {
    %c0_i32 = arith.constant 0 : i32
    return %arg0 : i32
  }
  func.func @transform_1(%arg0: i32) -> (i32, i32, i32) {
    %c0_i32 = arith.constant 0 : i32
    %c0_i32_0 = arith.constant 0 : i32
    %c0_i32_1 = arith.constant 0 : i32
    %c0_i32_2 = arith.constant 0 : i32
    return %c0_i32, %c0_i32_0, %c0_i32_1 : i32, i32, i32
  }
  func.func @transform_2(%arg0: i32) -> (i32, i32, i32) {
    %c0_i32 = arith.constant 0 : i32
    %c0_i32_0 = arith.constant 0 : i32
    %c0_i32_1 = arith.constant 0 : i32
    return %arg0, %c0_i32, %c0_i32_0 : i32, i32, i32
  }
}

</mosaic_0001>

<sc_bundles>
// kernel: kernel.5.cloned.1.call-start
scs
__scs_entry_jumppad:
0x0: {  	(pc) =	sbr.rel $0x88, $3  }
0x1: {  	(tag) =	ssettag $0x0;
	lr =	simm.s32 $0x1  }
0x2: {  	[smem:$0x3F9D] =	sst lr;
	_ =	strace $0xD0000000  }
0x3: {  	_ = 	snop  }
0x4: {  	_ = 	snop  }
0x5: {  	_ = 	snop  }
0x6: {  	_ = 	snop  }
0x7: {  	_ = 	snop  }
__scs_overlays_trampoline_lowered:
0x8: {  	[smem:$0x3FAC] =	sst s0  }
0x9: {  	[smem:$0x3FAD] =	sst s1  }
0xa: {  	[smem:$0x3FAE] =	sst s2  }
0xb: {  	[smem:$0x3FAF] =	sst s3  }
0xc: {  	[smem:$0x3FB0] =	sst s4  }
0xd: {  	[smem:$0x3FB1] =	sst s5  }
0xe: {  	[smem:$0x3FB2] =	sst s6  }
0xf: {  	[smem:$0x3FB3] =	sst s7  }
0x10: {  	[smem:$0x3FB4] =	sst s8  }
0x11: {  	[smem:$0x3FB5] =	sst s9;
	s0 =	simm.s32 @!p0 $0x0  }
0x12: {  	s1 =	sld [smem:$0x3F9B];
	s0 =	simm.s32 @p0 $0x1  }
0x13: {  	[smem:$0x3FB6] =	sst s0;
	s0 =	simm.s32 @!p1 $0x0  }
0x14: {  	s2 =	sld [smem:$0x3F9A];
	s0 =	simm.s32 @p1 $0x1  }
0x15: {  	[smem:$0x3FB7] =	sst s0;
	s0 =	simm.s32 @!p2 $0x0  }
0x16: {  	s3 =	sld [smem:$0x3FDB];
	s0 =	simm.s32 @p2 $0x1  }
0x17: {  	s4 =	simm.s32 $0x1BF5;
	[smem:$0x3FB9] =	sst s0  }
0x18: {  	s0 =	sld [smem:$0x3F9C];
	_ =	swait.ge [sflag:s4], $0x0  }
0x19: {  	s7 =	sld [smem:$0x3F9D]  }
0x1a: {  	s8 =	sadd.s32 $0xFFFFE003, lr  }
0x1b: {  	s9 =	sadd.s32 $0xFFFFFEF7, lr;
	s5 =	simm.s32 $0xFFFFFFFF;
	p2 =	slt.u32 s8, $0xFFFFF086  }
0x1c: {  	p1 =	slt.u32 s9, $0xF7A;
	s5 =	simm.s32 @!p2 $0x0  }
0x1d: {  	s5 =	simm.s32 @p1 $0x1;
	p0 =	seq.s32 s7, s2  }
0x1e: {  	s7 =	smul.u32 @!p0 $0xF7A, s2;
	p2 =	seq.s32 @!p0 s5, $0x0  }
0x1f: {  	s9 =	smul.u32 $0xF7A, s1;
	s8 =	simm.s32 @!p0 $0x1BF5;
	p2 =	por !p2, p0  }
0x20: {  	[sflag:s8] =	ssyncset.s32 @!p0 $0xFFFFF086;
	s6 =	sadd.s32 @!p0 s3, s7;
	s7 =	simm.s32 @!p0 $0x108  }
0x21: {  	s3 =	sadd.s32 s3, s9;
	s6 =	sadd.s32 @!p0 $0x88, s6;
	s7 =	simm.s32 @p2 $0x1082  }
0x22: {  	[simem:s7], [sflag:s8] =	dma.local @!p0 [hbm:s6], $0xF7A  }
0x23: {  	s9 =	sor.u32 $0xD0000000, s2;
	s6 =	simm.s32 $0x108;
	_ =	swait.ge @!p0 [sflag:s8], $0x0  }
0x24: {  	s3 =	sadd.s32 $0x88, s3;
	s6 =	simm.s32 @!p1 $0x1082;
	[sflag:s4] =	ssyncset.s32 $0xFFFFF086  }
0x25: {  	[simem:s6], [sflag:s4] =	dma.local [hbm:s3], $0xF7A  }
0x26: {  	[smem:$0x3F9D] =	sst s1;
	(tag) =	ssettag s2;
	_ =	strace s9  }
0x27: {  	s1 =	sld [smem:$0x3FAD]  }
0x28: {  	s2 =	sld [smem:$0x3FAE]  }
0x29: {  	s4 =	sld [smem:$0x3FB0]  }
0x2a: {  	p0 =	seq.s32 s5, $0x0;
	s5 =	sld [smem:$0x3FB1]  }
0x2b: {  	s6 =	sld [smem:$0x3FB2]  }
0x2c: {  	s7 =	sld [smem:$0x3FB3]  }
0x2d: {  	s3 =	simm.s32 $0x108;
	s8 =	sld [smem:$0x3FB4]  }
0x2e: {  	s3 =	simm.s32 @!p0 $0x1082;
	s9 =	sld [smem:$0x3FB5]  }
0x2f: {  	lr =	sadd.s32 s0, s3;
	s0 =	sld [smem:$0x3FAC]  }
0x30: {  	s3 =	sld [smem:$0x3FAF]  }
0x31: {  	[smem:$0x3FB8] =	sst s10  }
0x32: {  	s10 =	sld [smem:$0x3FB6];
	_ =	sdelay $0x3  }
0x33: {  	p0 =	seq.s32 s10, $0x1;
	s10 =	sld [smem:$0x3FB8];
	_ =	sdelay $0x3  }
0x34: {  	[smem:$0x3FB8] =	sst s10  }
0x35: {  	s10 =	sld [smem:$0x3FB7];
	_ =	sdelay $0x3  }
0x36: {  	p1 =	seq.s32 s10, $0x1;
	s10 =	sld [smem:$0x3FB8];
	_ =	sdelay $0x3  }
0x37: {  	[smem:$0x3FB8] =	sst s10  }
0x38: {  	s10 =	sld [smem:$0x3FB9]  }
0x39: {  	_ = 	snop;
	(pc) =	sbr.ind lr, $3  }
0x3a: {  	_ = 	snop  }
0x3b: {  	_ = 	snop  }
0x3c: {  	p2 =	seq.s32 s10, $0x1;
	s10 =	sld [smem:$0x3FB8]  }
0x3d: {  	_ =	shalt  }
0x3e: {  	_ =	shalt  }
0x3f: {  	_ =	shalt  }
0x40: {  	_ =	shalt  }
0x41: {  	_ =	shalt  }
0x42: {  	_ =	shalt  }
0x43: {  	_ =	shalt  }
0x44: {  	_ =	shalt  }
0x45: {  	_ =	shalt  }
0x46: {  	_ =	shalt  }
0x47: {  	_ =	shalt  }
0x48: {  	_ =	shalt  }
0x49: {  	_ =	shalt  }
0x4a: {  	_ =	shalt  }
0x4b: {  	_ =	shalt  }
0x4c: {  	_ =	shalt  }
0x4d: {  	_ =	shalt  }
0x4e: {  	_ =	shalt  }
0x4f: {  	_ =	shalt  }
0x50: {  	_ =	shalt  }
0x51: {  	_ =	shalt  }
0x52: {  	_ =	shalt  }
0x53: {  	_ =	shalt  }
0x54: {  	_ =	shalt  }
0x55: {  	_ =	shalt  }
0x56: {  	_ =	shalt  }
0x57: {  	_ =	shalt  }
0x58: {  	_ =	shalt  }
0x59: {  	_ =	shalt  }
0x5a: {  	_ =	shalt  }
0x5b: {  	_ =	shalt  }
0x5c: {  	_ =	shalt  }
0x5d: {  	_ =	shalt  }
0x5e: {  	_ =	shalt  }
0x5f: {  	_ =	shalt  }
0x60: {  	_ =	shalt  }
0x61: {  	_ =	shalt  }
0x62: {  	_ =	shalt  }
0x63: {  	_ =	shalt  }
0x64: {  	_ =	shalt  }
0x65: {  	_ =	shalt  }
0x66: {  	_ =	shalt  }
0x67: {  	_ =	shalt  }
0x68: {  	_ =	shalt  }
0x69: {  	_ =	shalt  }
0x6a: {  	_ =	shalt  }
0x6b: {  	_ =	shalt  }
0x6c: {  	_ =	shalt  }
0x6d: {  	_ =	shalt  }
0x6e: {  	_ =	shalt  }
0x6f: {  	_ =	shalt  }
0x70: {  	_ =	shalt  }
0x71: {  	_ =	shalt  }
0x72: {  	_ =	shalt  }
0x73: {  	_ =	shalt  }
0x74: {  	_ =	shalt  }
0x75: {  	_ =	shalt  }
0x76: {  	_ =	shalt  }
0x77: {  	_ =	shalt  }
0x78: {  	_ =	shalt  }
0x79: {  	_ =	shalt  }
0x7a: {  	_ =	shalt  }
0x7b: {  	_ =	shalt  }
0x7c: {  	_ =	shalt  }
0x7d: {  	_ =	shalt  }
0x7e: {  	_ =	shalt  }
0x7f: {  	_ =	shalt  }
0x80: {  	_ =	shalt  }
0x81: {  	_ =	shalt  }
0x82: {  	_ =	shalt  }
0x83: {  	_ =	shalt  }
0x84: {  	_ =	shalt  }
0x85: {  	_ =	shalt  }
0x86: {  	_ =	shalt  }
0x87: {  	_ =	shalt  }
.Lfunc_end0:
.L_simem_size_0:
called_computation_lowered:
.L_overlay_start_0:
0x88: {  	s2 =	sld [smem:$0x3FD9]  }
0x89: {  	s3 =	sld [smem:$0x3FFE];
	_ =	sdelay $0x1  }
0x8a: {  	s1 =	srdreg.scid  }
0x8b: {  	s0 =	sand.u32 $0x1, s1  }
0x8c: {  	s15 =	sshll.u32 s0, $0xA;
	s2 =	sadd.s32 s3, s2  }
0x8d: {  	s2 =	sadd.s32 s2, s15  }
0x8e: {  	[smem:$0x3FC4] =	sst s2  }
0x8f: {  	_ = 	snop  }
0x90: {  	s2 =	sld [smem:$0x3FD0];
	_ =	sdelay $0x2  }
0x91: {  	s4 =	simm.s32 $0xA;
	s5 =	simm.s32 $0x10;
	s16 =	sld [smem:$0x3FC6]  }
0x92: {  	[smem:s5], [sflag:s4] =	dma.local [hbm:s2], $0x1  }
0x93: {  	_ =	swait.eq [sflag:s4], $0x1  }
0x94: {  	[sflag:s4] =	ssyncset.done $0x0  }
0x95: {  	s17 =	sld [smem:$0x10];
	[sflag:s4] =	ssyncadd.s32 $0xFFFFFFFF  }
0x96: {  	s18 =	sld [smem:$0x12];
	(tm) =	ssettm $0x1  }
0x97: {  	s19 =	sld [smem:$0x3FFB];
	_ =	sdelay $0x3  }
0x98: {  	_ =	strace s19  }
0x99: {  	s5 =	sld [smem:$0x3FFC];
	_ =	sdelay $0x3  }
0x9a: {  	_ =	strace s5  }
0x9b: {  	s5 =	sld [smem:$0x3FFD];
	_ =	sdelay $0x3  }
0x9c: {  	_ =	strace s5  }
0x9d: {  	_ =	strace $0x8FFFFFFF  }
0x9e: {  	s20 =	sld [smem:$0x3FDB];
	_ =	sdelay $0x1  }
0x9f: {  	s6 =	simm.s32 $_scs_section_size  }
0xa0: {  	s7 =	simm.s32 $_size__tile_overlayer_lowered;
	s8 =	simm.s32 $_tile_overlayer_lowered  }
0xa1: {  	s23 =	simm.s32 $0x1BFF;
	s22 =	sshll.u32 s8, $0x1;
	s5 =	sadd.s32 s6, s20  }
0xa2: {  	s9 =	simm.s32 $0x0;
	s21 =	sshll.u32 s7, $0x1;
	s7 =	sadd.s32 s22, s5  }
0xa3: {  	[timem:s9], [sflag:s23] =	dma.local [hbm:s7], s21  }
0xa4: {  	_ =	swait.ge [sflag:s23], s21  }
0xa5: {  	s6 =	ssub.s32 $0x0, s21;
	[sflag:s23] =	ssyncset.done $0x0  }
0xa6: {  	[sflag:s23] =	ssyncadd.s32 s6;
	_ =	sdelay $0x1  }
0xa7: {  	s24 =	simm.s32 $0x1B8B  }
0xa8: {  	_ =	swait.ge [sflag:s24], $0x1  }
0xa9: {  	[sflag:s24] =	ssyncset.done $0x0  }
0xaa: {  	s25 =	simm.s32 $0x1B8E;
	[sflag:s24] =	ssyncadd.s32 $0xFFFFFFFF  }
0xab: {  	s26 =	simm.s32 $execute0_lowered;
	[smem:$0x3FD2] =	sst s25  }
0xac: {  	s6 =	sshll.u32 s26, $0x1;
	_ =	strace $0x80000046;
	[dreg:$0x1] =	wrdreg $0xFFFFFFFF  }
0xad: {  	s28 =	simm.s32 $_size_execute0_lowered;
	s5 =	sadd.s32 s5, s6;
	[dreg:$0x0] =	wrdreg $0x0  }
0xae: {  	s6 =	sshll.u32 s28, $0x1;
	[dreg:$0x2] =	wrdreg s5  }
0xaf: {  	[dreg:$0x3] =	wrdreg s6  }
0xb0: {  	[dreg:$0x4] =	wrdreg $0xC0  }
0xb1: {  	_ =	task [dreg:s9], $0x5FFFF  }
0xb2: {  	[dreg:$0x1] =	wrdreg $0xFFFFFFFF  }
0xb3: {  	[dreg:$0x0] =	wrdreg $0x60  }
0xb4: {  	[dreg:$0x2] =	wrdreg s16  }
0xb5: {  	[dreg:$0x3] =	wrdreg s18  }
0xb6: {  	[dreg:$0x4] =	wrdreg s17  }
0xb7: {  	[dreg:$0x5] =	wrdreg $0x800  }
0xb8: {  	[dreg:$0x6] =	wrdreg $0x9  }
0xb9: {  	_ =	task.clear_ibuf [dreg:s9], $0x7FFFF;
	_ =	strace $0x90000046  }
0xba: {  	s29 =	simm.s32 $0x9;
	_ =	strace $0x80000048  }
0xbb: {  	_ =	swait.ge [sflag:s29], $0x1  }
0xbc: {  	[sflag:s29] =	ssyncadd.s32 $0xFFFFFFFF  }
0xbd: {  	_ =	strace $0x90000048  }
0xbe: {  	_ =	sfence  }
0xbf: {  	s30 =	sld [smem:$0x0];
	_ =	sdelay $0x2  }
0xc0: {  	s31 =	sshll.u32 s1, $0xD;
	s1 =	sshrl.u32 s1, $0x2  }
0xc1: {  	s3 =	sand.u32 $0x4000, s31;
	s1 =	sadd.s32 s1, s30  }
0xc2: {  	s0 =	sor.u32 s3, s0;
	s1 =	sshll.u32 s1, $0x11  }
0xc3: {  	s0 =	sor.u32 s1, s0  }
0xc4: {  	s0 =	sadd.s32 $0x8F2B, s0  }
0xc5: {  	[sflag:s0] =	ssyncadd.remote.s32 $0x1  }
0xc6: {  	_ =	sfence.sel $0xFFFF  }
0xc7: {  	[dreg:$0x0] =	wrdreg $0xFFFFFFFF;
	(pc) =	sbr.abs _section_cstart, $3  }
0xc8: {  	[dreg:$0x1] =	wrdreg $0xFFFFFFFF  }
0xc9: {  	_ =	task.clear_ibuf [dreg:s9], $0x2FFFF;
	_ =	strace $0x9FFFFFFF  }
0xca: {  	(tm) =	ssettm $0x7FFFFFFF  }
0xcb: {  	_ =	shalt  }
tec
execute0_lowered:
.L_overlay_start_1:
0x0: {  	(tag) =	ssettag $0x1  }
0x1: {  	s1 =	rddreg [dreg:$0x0]  }
0x2: {  	s4 =	rddreg [dreg:$0x1]  }
0x3: {  	s5 =	rddreg [dreg:$0x2]  }
0x4: {  	s2 =	rddreg [dreg:$0x3]  }
0x5: {  	s0 =	rddreg [dreg:$0x4];
	s6 =	srdreg.scid  }
0x6: {  	s3 =	simm.s32 $0x0;
	s8 =	stileid.u32;
	s6 =	sand.u32 $0x1, s6  }
0x7: {  	[smem:$0x7FF] =	sst s3;
	s9 =	smul.u32 $0xC0000, s8;
	s28 =	sshll.u32 s8, $0x8  }
0x8: {  	s12 =	smul.u32 $0x18000, s8;
	p0 =	sne.s32 s8, $0x0;
	s8 =	sshll.u32 s8, $0x6  }
0x9: {  	s7 =	ssub.s32 $0x2, s6;
	_ =	strace $0x80000047;
	s11 =	smul.u32 $0x60000, s6  }
0xa: {  	s13 =	sshll.u32 s6, $0x7;
	s6 =	smul.u32 $0xC000, s6;
	s10 =	sshrl.u32 s7, $0x1  }
0xb: {  	s8 =	sor.u32 $0x1C01, s8;
	s29 =	sadd.s32 s12, s5;
	s7 =	ssub.s32 s7, s10  }
0xc: {  	s9 =	sadd.s32 s11, s9;
	s10 =	sor.u32 s13, s28;
	s6 =	sadd.s32 s6, s29  }
0xd: {  	s30 =	sor.u32 $0xB400, s9;
	s10 =	sshrl.u32 s10, $0x3;
	[dreg:$0x5] =	wrdreg s6  }
0xe: {  	s12 =	sor.u32 $0xA800, s9;
	s14 =	sor.u32 $0x9C00, s9;
	s15 =	sor.u32 $0x9000, s9  }
0xf: {  	s19 =	sor.u32 $0x8400, s9;
	s21 =	sor.u32 $0x7800, s9;
	s22 =	sor.u32 $0x6C00, s9  }
0x10: {  	s26 =	sor.u32 $0x6000, s9;
	s29 =	sor.u32 $0x5400, s9;
	s9 =	sor.u32 $0x4800, s9  }
0x11: {  	s31 =	sshrl.u32 s30, $0x3;
	s13 =	sshrl.u32 s12, $0x3;
	s17 =	sshrl.u32 s15, $0x3  }
0x12: {  	s20 =	sshrl.u32 s19, $0x3;
	s24 =	sshrl.u32 s22, $0x3;
	s28 =	sshrl.u32 s26, $0x3  }
0x13: {  	s9 =	sshrl.u32 s9, $0x3;
	s4 =	sadd.s32 s4, s10;
	s11 =	sadd.s32 s31, s5  }
0x14: {  	s10 =	simm.s32 $0x40;
	s6 =	sadd.s32 s13, s5;
	[dreg:$0xf] =	wrdreg s11  }
0x15: {  	s12 =	simm.s32 $0x1;
	s18 =	sadd.s32 s17, s5;
	[dreg:$0xe] =	wrdreg s6  }
0x16: {  	s25 =	sadd.s32 s24, s5;
	s31 =	sadd.s32 s9, s5;
	[dreg:$0xc] =	wrdreg s18  }
0x17: {  	s9 =	simm.s32 $0x4;
	s13 =	simm.s32 $0x0;
	[dreg:$0x9] =	wrdreg s25  }
0x18: {  	s11 =	sshrl.u32 s14, $0x3;
	s6 =	sadd.s32 s20, s5;
	[dreg:$0x6] =	wrdreg s31  }
0x19: {  	s16 =	sadd.s32 s11, s5;
	s11 =	sshrl.u32 s21, $0x3;
	[dreg:$0xb] =	wrdreg s6  }
0x1a: {  	s6 =	sadd.s32 s28, s5;
	[dreg:$0xd] =	wrdreg s16;
	s23 =	sadd.s32 s11, s5  }
0x1b: {  	s11 =	sshrl.u32 s29, $0x3;
	[dreg:$0x8] =	wrdreg s6;
	s6 =	sshrl.u32 @!p0 s2, $0x3  }
0x1c: {  	[dreg:$0xa] =	wrdreg s23;
	s30 =	sadd.s32 s11, s5;
	s5 =	smax.u32 s7, $0x1  }
0x1d: {  	s7 =	simm.s32 $0x2;
	s11 =	simm.s32 $0x80;
	[dreg:$0x7] =	wrdreg s30  }
.LBB2_1:
0x1e: {  	s14 =	simm.s32 @!p0 $0x1C02  }
0x1f: {  	[spmem:s6], [sflag:s14] =	dma.local @!p0 [hbm:s1], $0x12C00  }
0x20: {  	s14 =	simm.s32 @!p0 $0x2  }
0x21: {  	_ =	swait.ge @!p0 [sflag:s14], $0x12C00  }
0x22: {  	[sflag:s14] =	ssyncset.done @!p0 $0x0  }
0x23: {  	[sflag:s14] =	ssyncadd.s32 @!p0 $0xFFFED400  }
0x24: {  	[tilespmem:s3], [sflag:$0x2] =	stream.linear.gather [hbm4b:s4+s3], $0x80, $0x38;
	[tilespmem:$0x9680] =	vst v63  }
0x25: {  	_ =	swait.ge [sflag:s7], $0x80  }
0x26: {  	[sflag:s7] =	ssyncset.done $0x0  }
0x27: {  	[sflag:s7] =	ssyncadd.s32 $0xFFFFFF80  }
0x28: {  	[bflag:$0x0] =	sbarrier.arrive $0xFFFF  }
0x29: {  	v0 =	vld [tilespmem:s3+$0x0];
	_ =	sdelay $0x4  }
0x2a: {  	v0 =	vmul.u32 $0x6000, v0;
	_ =	sdelay $0x1  }
0x2b: {  	v0 =	vshra.s32 v0, $0x2  }
0x2c: {  	v0 =	vadd.s32 s2, v0  }
0x2d: {  	v0 =	vshrl.u32 v0, $0x3  }
0x2e: {  	(v2sf) =	vpush v0, $0x4  }
0x2f: {  	(v2sf) =	vpush v0, $0x3  }
0x30: {  	(v2sf) =	vpush v0, $0x2  }
0x31: {  	(v2sf) =	vpush v0, $0x0  }
0x32: {  	(v2sf) =	vpush v0, $0x1;
	_ =	sdelay $0x3  }
0x33: {  	(v2sf) =	vpush v0, $0x5;
	_ =	sdelay $0x6  }
0x34: {  	s26 =	spop (v2sf)  }
0x35: {  	s16 =	spop (v2sf)  }
0x36: {  	(v2sf) =	vpush v0, $0x6;
	s17 =	spop (v2sf)  }
0x37: {  	s18 =	spop (v2sf)  }
0x38: {  	s19 =	spop (v2sf);
	(v2sf) =	vpush v0, $0x7;
	_ =	sdelay $0x1  }
0x39: {  	s15 =	rddreg [dreg:$0x5]  }
0x3a: {  	s15 =	sadd.s32 $0x0, s15  }
0x3b: {  	s20 =	sadd.s32 $0x180, s15;
	s21 =	sadd.s32 $0x300, s15;
	s22 =	spop (v2sf)  }
0x3c: {  	[hbm:s15@s10], [sflag:s8] =	dma.strided [spmem:s18@s11], $0x180, s9, $0x10   }
0x3d: {  	[hbm:s20@s10], [sflag:s8] =	dma.strided [spmem:s19@s11], $0x180, s9, $0x10   }
0x3e: {  	s28 =	sadd.s32 $0x600, s15;
	s29 =	sadd.s32 $0x780, s15;
	s15 =	sadd.s32 $0x480, s15;
	(v2sf) =	vpush v0, $0x8  }
0x3f: {  	[hbm:s21@s10], [sflag:s8] =	dma.strided [spmem:s17@s11], $0x180, s9, $0x10   }
0x40: {  	[hbm:s15@s10], [sflag:s8] =	dma.strided [spmem:s16@s11], $0x180, s9, $0x10   }
0x41: {  	[hbm:s28@s10], [sflag:s8] =	dma.strided [spmem:s26@s11], $0x180, s9, $0x10   }
0x42: {  	[hbm:s29@s10], [sflag:s8] =	dma.strided [spmem:s22@s11], $0x180, s9, $0x10   }
0x43: {  	s30 =	rddreg [dreg:$0x6];
	(v2sf) =	vpush v0, $0x9  }
0x44: {  	s14 =	sadd.s32 $0x0, s30;
	s31 =	spop (v2sf)  }
0x45: {  	[hbm:s14@s10], [sflag:s8] =	dma.strided [spmem:s31@s11], $0x180, s9, $0x10   }
0x46: {  	s15 =	spop (v2sf);
	(v2sf) =	vpush v0, $0xA;
	_ =	sdelay $0x5  }
0x47: {  	s14 =	rddreg [dreg:$0x7]  }
0x48: {  	s14 =	sadd.s32 $0x0, s14  }
0x49: {  	[hbm:s14@s10], [sflag:s8] =	dma.strided [spmem:s15@s11], $0x180, s9, $0x10   }
0x4a: {  	s14 =	rddreg [dreg:$0x8];
	s15 =	spop (v2sf);
	(v2sf) =	vpush v0, $0xB  }
0x4b: {  	s14 =	sadd.s32 $0x0, s14  }
0x4c: {  	[hbm:s14@s10], [sflag:s8] =	dma.strided [spmem:s15@s11], $0x180, s9, $0x10   }
0x4d: {  	s14 =	rddreg [dreg:$0x9];
	s15 =	spop (v2sf);
	(v2sf) =	vpush v0, $0xC  }
0x4e: {  	s14 =	sadd.s32 $0x0, s14  }
0x4f: {  	[hbm:s14@s10], [sflag:s8] =	dma.strided [spmem:s15@s11], $0x180, s9, $0x10   }
0x50: {  	s15 =	spop (v2sf);
	(v2sf) =	vpush v0, $0xD;
	_ =	sdelay $0x4  }
0x51: {  	s14 =	rddreg [dreg:$0xa]  }
0x52: {  	s14 =	sadd.s32 $0x0, s14  }
0x53: {  	[hbm:s14@s10], [sflag:s8] =	dma.strided [spmem:s15@s11], $0x180, s9, $0x10   }
0x54: {  	s14 =	rddreg [dreg:$0xb];
	(v2sf) =	vpush v0, $0xE  }
0x55: {  	s14 =	sadd.s32 $0x0, s14;
	s15 =	spop (v2sf)  }
0x56: {  	[hbm:s14@s10], [sflag:s8] =	dma.strided [spmem:s15@s11], $0x180, s9, $0x10   }
0x57: {  	s14 =	rddreg [dreg:$0xc];
	(v2sf) =	vpush v0, $0xF  }
0x58: {  	s14 =	sadd.s32 $0x0, s14;
	s15 =	spop (v2sf)  }
0x59: {  	[hbm:s14@s10], [sflag:s8] =	dma.strided [spmem:s15@s11], $0x180, s9, $0x10   }
0x5a: {  	s14 =	rddreg [dreg:$0xd]  }
0x5b: {  	s16 =	simm.s32 $0x0;
	s14 =	sadd.s32 $0x0, s14;
	s15 =	spop (v2sf)  }
0x5c: {  	[hbm:s14@s10], [sflag:s8] =	dma.strided [spmem:s15@s11], $0x180, s9, $0x10   }
0x5d: {  	s15 =	simm.s32 $0x1800;
	s14 =	simm.s32 $0x0;
	s17 =	rddreg [dreg:$0xe]  }
.LBB2_2:
0x5e: {  	_ =	sdelay $0x4  }
0x5f: {  	s17 =	sadd.s32 s14, s17;
	s18 =	spop (v2sf)  }
0x60: {  	[hbm:s17@s10], [sflag:s8] =	dma.strided [spmem:s18@s11], $0x180, s9, $0x10   }
0x61: {  	s17 =	rddreg [dreg:$0xf]  }
0x62: {  	s16 =	sadd.s32 $0x10, s16;
	s18 =	spop (v2sf);
	s17 =	sadd.s32 s14, s17  }
0x63: {  	[hbm:s17@s10], [sflag:s8] =	dma.strided [spmem:s18@s11], $0x180, s9, $0x10   }
0x64: {  	v0 =	vld [tilespmem:s16+$0x0];
	_ =	sdelay $0x4  }
0x65: {  	v0 =	vmul.u32 $0x6000, v0;
	_ =	sdelay $0x1  }
0x66: {  	v0 =	vshra.s32 v0, $0x2  }
0x67: {  	v0 =	vadd.s32 s2, v0  }
0x68: {  	v0 =	vshrl.u32 v0, $0x3  }
0x69: {  	(v2sf) =	vpush v0, $0x4  }
0x6a: {  	(v2sf) =	vpush v0, $0x3  }
0x6b: {  	(v2sf) =	vpush v0, $0x2  }
0x6c: {  	(v2sf) =	vpush v0, $0x0  }
0x6d: {  	(v2sf) =	vpush v0, $0x1  }
0x6e: {  	(v2sf) =	vpush v0, $0x5;
	_ =	sdelay $0x7  }
0x6f: {  	(v2sf) =	vpush v0, $0x6;
	_ =	sdelay $0x1  }
0x70: {  	s18 =	spop (v2sf)  }
0x71: {  	s31 =	spop (v2sf)  }
0x72: {  	s19 =	smov.u32 s15;
	s20 =	spop (v2sf);
	(v2sf) =	vpush v0, $0x7  }
0x73: {  	s14 =	smov.u32 s19;
	s17 =	rddreg [dreg:$0x5];
	s23 =	spop (v2sf)  }
0x74: {  	s17 =	sadd.s32 s14, s17;
	s26 =	spop (v2sf)  }
0x75: {  	s21 =	sadd.s32 $0x180, s17;
	s22 =	sadd.s32 $0x300, s17;
	s29 =	spop (v2sf)  }
0x76: {  	[hbm:s17@s10], [sflag:s8] =	dma.strided [spmem:s23@s11], $0x180, s9, $0x10   }
0x77: {  	[hbm:s21@s10], [sflag:s8] =	dma.strided [spmem:s26@s11], $0x180, s9, $0x10   }
0x78: {  	s24 =	sadd.s32 $0x600, s17;
	s25 =	sadd.s32 $0x780, s17;
	s28 =	sadd.s32 $0x480, s17;
	(v2sf) =	vpush v0, $0x8  }
0x79: {  	[hbm:s22@s10], [sflag:s8] =	dma.strided [spmem:s20@s11], $0x180, s9, $0x10   }
0x7a: {  	[hbm:s28@s10], [sflag:s8] =	dma.strided [spmem:s31@s11], $0x180, s9, $0x10   }
0x7b: {  	[hbm:s24@s10], [sflag:s8] =	dma.strided [spmem:s18@s11], $0x180, s9, $0x10   }
0x7c: {  	[hbm:s25@s10], [sflag:s8] =	dma.strided [spmem:s29@s11], $0x180, s9, $0x10   }
0x7d: {  	s31 =	spop (v2sf);
	(v2sf) =	vpush v0, $0x9  }
0x7e: {  	s30 =	rddreg [dreg:$0x6]  }
0x7f: {  	s17 =	sadd.s32 s14, s30  }
0x80: {  	[hbm:s17@s10], [sflag:s8] =	dma.strided [spmem:s31@s11], $0x180, s9, $0x10   }
0x81: {  	s18 =	spop (v2sf);
	(v2sf) =	vpush v0, $0xA;
	_ =	sdelay $0x4  }
0x82: {  	s17 =	rddreg [dreg:$0x7]  }
0x83: {  	s17 =	sadd.s32 s14, s17  }
0x84: {  	[hbm:s17@s10], [sflag:s8] =	dma.strided [spmem:s18@s11], $0x180, s9, $0x10   }
0x85: {  	s17 =	rddreg [dreg:$0x8];
	s18 =	spop (v2sf);
	(v2sf) =	vpush v0, $0xB  }
0x86: {  	s17 =	sadd.s32 s14, s17  }
0x87: {  	[hbm:s17@s10], [sflag:s8] =	dma.strided [spmem:s18@s11], $0x180, s9, $0x10   }
0x88: {  	s18 =	spop (v2sf);
	(v2sf) =	vpush v0, $0xC  }
0x89: {  	s17 =	rddreg [dreg:$0x9]  }
0x8a: {  	s17 =	sadd.s32 s14, s17  }
0x8b: {  	[hbm:s17@s10], [sflag:s8] =	dma.strided [spmem:s18@s11], $0x180, s9, $0x10   }
0x8c: {  	s18 =	spop (v2sf);
	(v2sf) =	vpush v0, $0xD;
	_ =	sdelay $0x3  }
0x8d: {  	s17 =	rddreg [dreg:$0xa]  }
0x8e: {  	s17 =	sadd.s32 s14, s17  }
0x8f: {  	[hbm:s17@s10], [sflag:s8] =	dma.strided [spmem:s18@s11], $0x180, s9, $0x10   }
0x90: {  	s17 =	rddreg [dreg:$0xb]  }
0x91: {  	s17 =	sadd.s32 s14, s17;
	s18 =	spop (v2sf);
	(v2sf) =	vpush v0, $0xE  }
0x92: {  	[hbm:s17@s10], [sflag:s8] =	dma.strided [spmem:s18@s11], $0x180, s9, $0x10   }
0x93: {  	s17 =	rddreg [dreg:$0xc]  }
0x94: {  	p1 =	sne.s32 s15, $0xA800;
	s17 =	sadd.s32 s14, s17;
	s18 =	spop (v2sf);
	(v2sf) =	vpush v0, $0xF  }
0x95: {  	[hbm:s17@s10], [sflag:s8] =	dma.strided [spmem:s18@s11], $0x180, s9, $0x10   }
.Ltmp0:
0x96: {  	_ = 	snop;
	(pc) =	sbr.rel @p1 .LBB2_2-.Ltmp0, $4  }
0x97: {  	s17 =	rddreg [dreg:$0xd]  }
0x98: {  	s17 =	sadd.s32 s14, s17;
	s18 =	spop (v2sf)  }
0x99: {  	[hbm:s17@s10], [sflag:s8] =	dma.strided [spmem:s18@s11], $0x180, s9, $0x10   }
0x9a: {  	s15 =	sadd.s32 $0x1800, s15;
	s17 =	rddreg [dreg:$0xe]  }
0x9b: {  	_ =	sdelay $0x4  }
0x9c: {  	s16 =	sadd.s32 s14, s17;
	s13 =	sadd.s32 $0x1, s13;
	s15 =	spop (v2sf)  }
0x9d: {  	[hbm:s16@s10], [sflag:s8] =	dma.strided [spmem:s15@s11], $0x180, s9, $0x10   }
0x9e: {  	p1 =	sne.s32 s13, s5;
	s15 =	rddreg [dreg:$0xf]  }
.Ltmp1:
0x9f: {  	s16 =	spop (v2sf);
	s31 =	sadd.s32 s14, s15;
	(pc) =	sbr.rel @p1 .LBB2_1-.Ltmp1, $4  }
0xa0: {  	[hbm:s31@s10], [sflag:s8] =	dma.strided [spmem:s16@s11], $0x180, s9, $0x10   }
0xa1: {  	_ =	swait.ge [sflag:s12], $0xC000  }
0xa2: {  	[sflag:s12] =	ssyncset.done $0x0  }
0xa3: {  	[sflag:s12] =	ssyncadd.s32 $0xFFFF4000  }
0xa4: {  	_ =	sfence.sel $0x180000  }
0xa5: {  	[bflag:$0x0] =	sbarrier.arrive $0xFFFF  }
0xa6: {  	_ =	strace $0x90000047  }
0xa7: {  	s0 =	sadd.s32 @!p0 $0x100000, s0;
	[bflag:$0x2] =	sbarrier.arrive $0xFFFF  }
0xa8: {  	[sflag:s0] =	ssyncadd.tile.s32 @!p0 $0x1;
	_ =	shalt  }
.Lfunc_end2:
_tile_overlayer_lowered:
.L_overlay_start_2:
0xa9: {  	(tag) =	ssettag $0x2  }
0xaa: {  	s0 =	rddreg [dreg:$0x0];
	s2 =	stileid.u32  }
0xab: {  	s1 =	rddreg [dreg:$0x1];
	p0 =	sne.s32 s2, $0x0  }
0xac: {  	s3 =	rddreg [dreg:$0x2];
	[bflag:$0x3] =	sbarrier.arrive $0xFFFF;
	s2 =	simm.s32 @!p0 $0x1C02  }
0xad: {  	[timem:s3], [sflag:s2] =	dma.local @!p0 [hbm:s0], s1  }
0xae: {  	s0 =	simm.s32 @!p0 $0x2  }
0xaf: {  	_ =	swait.ge @!p0 [sflag:s0], s1  }
0xb0: {  	s1 =	ssub.s32 @!p0 $0x0, s1;
	[sflag:s0] =	ssyncset.done @!p0 $0x0  }
0xb1: {  	[sflag:s0] =	ssyncadd.s32 @!p0 s1  }
0xb2: {  	[bflag:$0x3] =	sbarrier.arrive $0xFFFF  }
0xb3: {  	_ =	shalt  }

</sc_bundles>
